<compile_context>
chip_gen: v7x
topology: tpu7x:2x2x1
jax: 0.10.2.dev20260603
libtpu: 0.0.44.dev20260713+nightly
codegen_flags: <defaults>
</compile_context>

<pallas_src>
import functools

import jax
import jax.numpy as jnp
from jax import lax
from jax.experimental import pallas as pl
from jax.experimental.pallas import tpu as pltpu
from jax.experimental.pallas import tpu_sc as plsc

VOCAB = 100000
EMBED = 64
WINDOW = 20
HIDDEN = 128

BV = 5000
NB = VOCAB // BV



_IDX_PAD = 32


@functools.cache
def _get_sc_gather():
    mesh = plsc.VectorSubcoreMesh(core_axis_name="c", subcore_axis_name="s")

    @functools.partial(
        pl.kernel,
        out_type=jax.ShapeDtypeStruct((WINDOW, EMBED, 128), jnp.float32),
        mesh=mesh,
        scratch_types=[
            pltpu.VMEM((_IDX_PAD,), jnp.int32),
            pltpu.VMEM((EMBED, 128), jnp.float32),
            pltpu.SemaphoreType.DMA,
            pltpu.SemaphoreType.DMA,
        ],
        compiler_params=pltpu.CompilerParams(needs_layout_passes=False),
    )
    def _sc_gather(idx_hbm, embt_hbm, out_hbm, idx_v, slab_v, sem, sem2):
        c = lax.axis_index("c")
        s = lax.axis_index("s")
        wid = s * 2 + c

        @pl.when(wid < WINDOW)
        def _():
            pltpu.sync_copy(idx_hbm, idx_v.at[pl.ds(0, WINDOW)])
            lane = lax.iota(jnp.int32, 16)
            c0 = idx_v[pl.ds(0, 16)]
            c1 = idx_v[pl.ds(16, 16)]
            chunk = jnp.where(jnp.full((16,), wid, jnp.int32)
                              < jnp.full((16,), 16, jnp.int32), c0, c1)
            xr = jnp.max(jnp.where(lane == (wid & 15), chunk,
                                   jnp.zeros((16,), jnp.int32)))
            base = pl.multiple_of((xr >> 7) * 128, 128)
            pltpu.async_copy(
                embt_hbm.at[:, pl.ds(base, 128)], slab_v, sem,
            ).wait()
            pltpu.async_copy(slab_v, out_hbm.at[wid], sem2).wait()

    return _sc_gather



_NT = (((1,), (1,)), ((), ()))


def _mlp_body(slab_hbm, subs_hbm, w1_hbm, b1_hbm, w2_ref, b2_hbm, out_hbm,
              slab_ref, subs_ref, w1_ref, b1_ref, h_ref, lg_ref, b2s_ref,
              m_ref, s_ref, sem_sl, sem_su, sem_w1, sem_b1, sem_b2, sem_out):
    j = pl.program_id(0)

    @pl.when(j == 0)
    def _():
        cs = pltpu.make_async_copy(slab_hbm, slab_ref, sem_sl)
        cu = pltpu.make_async_copy(subs_hbm, subs_ref, sem_su)
        cw = pltpu.make_async_copy(w1_hbm, w1_ref, sem_w1)
        cb = pltpu.make_async_copy(b1_hbm, b1_ref, sem_b1)
        c2 = pltpu.make_async_copy(b2_hbm, b2s_ref, sem_b2)
        cs.start(); cu.start(); cw.start(); cb.start(); c2.start()
        cs.wait(); cu.wait(); cw.wait(); cb.wait(); c2.wait()
        lanes = lax.broadcasted_iota(jnp.int32, (WINDOW, EMBED, 128), 2)
        gsel = jnp.sum(jnp.where(lanes == subs_ref[:], slab_ref[:], 0.0),
                       axis=2)
        z1 = jnp.zeros((1, HIDDEN), jnp.float32)
        for r in range(WINDOW):
            z1 = z1 + lax.dot_general(
                gsel[r:r + 1, :], w1_ref[:, r * EMBED:(r + 1) * EMBED], _NT,
                preferred_element_type=jnp.float32)
        h_ref[:] = jnp.maximum(z1 + b1_ref[:], 0.0)

    z = (lax.dot_general(h_ref[:], w2_ref[:], _NT,
                         preferred_element_type=jnp.float32)
         + b2s_ref[pl.ds(j, 1), :])
    lg_ref[pl.ds(j, 1), :] = z

    bm = jnp.max(z, axis=1, keepdims=True)

    @pl.when(j == 0)
    def _():
        m_ref[:] = bm
        s_ref[:] = jnp.sum(jnp.exp(z - bm), axis=1, keepdims=True)

    @pl.when(j > 0)
    def _():
        m_old = m_ref[:]
        m_new = jnp.maximum(m_old, bm)
        s_ref[:] = (s_ref[:] * jnp.exp(m_old - m_new)
                    + jnp.sum(jnp.exp(z - m_new), axis=1, keepdims=True))
        m_ref[:] = m_new

    @pl.when(j == NB - 1)
    def _():
        lg_ref[:] = lg_ref[:] - (m_ref[:] + jnp.log(s_ref[:]))
        co = pltpu.make_async_copy(lg_ref, out_hbm, sem_out)
        co.start()
        co.wait()


_HBM = pltpu.MemorySpace.HBM

_mlp_call = pl.pallas_call(
    _mlp_body,
    grid=(NB,),
    in_specs=[
        pl.BlockSpec(memory_space=_HBM),
        pl.BlockSpec(memory_space=_HBM),
        pl.BlockSpec(memory_space=_HBM),
        pl.BlockSpec(memory_space=_HBM),
        pl.BlockSpec((BV, HIDDEN), lambda j: (j, 0)),
        pl.BlockSpec(memory_space=_HBM),
    ],
    out_specs=pl.BlockSpec(memory_space=_HBM),
    out_shape=jax.ShapeDtypeStruct((NB, BV), jnp.float32),
    scratch_shapes=[
        pltpu.VMEM((WINDOW, EMBED, 128), jnp.float32),
        pltpu.VMEM((WINDOW, 1, 1), jnp.int32),
        pltpu.VMEM((HIDDEN, WINDOW * EMBED), jnp.float32),
        pltpu.VMEM((1, HIDDEN), jnp.float32),
        pltpu.VMEM((1, HIDDEN), jnp.float32),
        pltpu.VMEM((NB, BV), jnp.float32),
        pltpu.VMEM((NB, BV), jnp.float32),
        pltpu.VMEM((1, 1), jnp.float32),
        pltpu.VMEM((1, 1), jnp.float32),
        pltpu.SemaphoreType.DMA,
        pltpu.SemaphoreType.DMA,
        pltpu.SemaphoreType.DMA,
        pltpu.SemaphoreType.DMA,
        pltpu.SemaphoreType.DMA,
        pltpu.SemaphoreType.DMA,
    ],
    compiler_params=pltpu.CompilerParams(
        dimension_semantics=("arbitrary",),
    ),
)


def kernel(x, emb, W1, b1, W2, b2):
    xi = x.astype(jnp.int32)
    slabs = _get_sc_gather()(xi, emb.T)
    subs = (xi & 127).reshape(WINDOW, 1, 1)
    out = _mlp_call(
        slabs,
        subs,
        W1,
        b1.reshape(1, HIDDEN),
        W2,
        b2.reshape(NB, BV),
    )
    return out.reshape(1, VOCAB)

# --- scband reference (transcript-rebuilt; emitter-appended) ---
"""Pipeline reference for scband-cbow-29171417875190 (READ-ONLY COPY).

The authoritative reference and input builder live on the scoring server;
editing this copy changes nothing except your own understanding.
"""

import jax, jax.numpy as jnp
import numpy as np

VOCAB = 100000
EMBED = 64
WINDOW = 20
HIDDEN = 128

def setup_inputs(seed: int = 0) -> dict:
    key = jax.random.key(seed)
    k0, k1, k2, k3, k4, k5 = jax.random.split(key, 6)
    x = jax.random.randint(k0, (WINDOW,), 0, VOCAB, dtype=jnp.int64) if jax.config.read('jax_enable_x64') else jax.random.randint(k0, (WINDOW,), 0, VOCAB, dtype=jnp.int32)
    emb = jax.random.normal(k1, (VOCAB, EMBED), dtype=jnp.float32)
    W1 = jax.random.normal(k2, (HIDDEN, WINDOW * EMBED), dtype=jnp.float32) * 0.02
    b1 = jnp.zeros((HIDDEN,), dtype=jnp.float32)
    W2 = jax.random.normal(k3, (VOCAB, HIDDEN), dtype=jnp.float32) * 0.02
    b2 = jnp.zeros((VOCAB,), dtype=jnp.float32)
    return {"x": x, "emb": emb, "W1": W1, "b1": b1, "W2": W2, "b2": b2}

def reference(x, emb, W1, b1, W2, b2):
    # embedding lookup: [window] -> [window, embed] -> view (1, window*embed)
    h = jnp.take(emb, x, axis=0).reshape((1, -1))
    h = jax.nn.relu(h @ W1.T + b1)
    logits = h @ W2.T + b2
    return jax.nn.log_softmax(logits, axis=1)

if __name__ == "__main__":
    import jax
    _d = setup_inputs()
    print(jax.jit(kernel)(*tuple(_d.values())))

</pallas_src>

<mosaic_0001>
#map = affine_map<(d0, d1) -> (0)>
#map1 = affine_map<(d0, d1) -> (0, 0)>
#map2 = affine_map<(d0, d1) -> (0, 0, 0)>
module attributes {stable_mosaic.version = 14 : i64} {
  func.func @_sc_gather(%arg0: i32, %arg1: i32, %arg2: memref<20xi32, #tpu.memory_space<hbm>>, %arg3: memref<64x100000xf32, #tpu.memory_space<hbm>>, %arg4: memref<20x64x128xf32, #tpu.memory_space<hbm>>, %arg5: memref<32xi32, #tpu.memory_space<vmem>>, %arg6: memref<64x128xf32, #tpu.memory_space<vmem>>, %arg7: memref<!tpu.dma_semaphore, #tpu.memory_space<semaphore_mem>>, %arg8: memref<!tpu.dma_semaphore, #tpu.memory_space<semaphore_mem>>) attributes {dimension_semantics = [#tpu.dimension_semantics<core_parallel>, #tpu.dimension_semantics<subcore_parallel>], iteration_bounds = array<i64: 2, 16>, scalar_prefetch = 0 : i64, scratch_operands = 4 : i64, tpu.core_type = #tpu.core_type<sc_vector_subcore>, window_params = [{transform_indices = #map}, {transform_indices = #map1}, {transform_indices = #map2}]} {
    %mul3A = arith.constant 2 : i32
    %mul3A_0 = arith.muli %arg1, %mul3A : i32
    %add3A = arith.addi %mul3A_0, %arg0 : i32
    %lt3A = arith.constant 20 : i32
    %lt3A_1 = arith.cmpi slt, %add3A, %lt3A : i32
    %convert_element_type3A = arith.extui %lt3A_1 : i1 to i32
    %cond3A = arith.constant 0 : i32
    %cond3A_2 = arith.cmpi ne, %convert_element_type3A, %cond3A : i32
    scf.if %cond3A_2 {
      "tpu.region"() ({
        %run_scoped3A = tpu.sem_alloc : memref<!tpu.dma_semaphore, #tpu.memory_space<semaphore_mem>>
        %dma_start3A_46 = arith.constant 0 : i32
        %dma_start3A_47 = tpu.memref_slice %arg5[%dma_start3A_46] : memref<32xi32, #tpu.memory_space<vmem>> -> memref<20xi32, #tpu.memory_space<vmem>>
        %dma_start3A_48 = arith.constant 0 : i32
        %dma_start3A_49 = tpu.memref_slice %arg5[%dma_start3A_48] : memref<32xi32, #tpu.memory_space<vmem>> -> memref<20xi32, #tpu.memory_space<vmem>>
        tpu.enqueue_dma source(%arg2 : memref<20xi32, #tpu.memory_space<hbm>>) target(%dma_start3A_49 : memref<20xi32, #tpu.memory_space<vmem>>) target_semaphore(%run_scoped3A : memref<!tpu.dma_semaphore, #tpu.memory_space<semaphore_mem>>)
        %dma_wait3A_50 = arith.constant 0 : i32
        %dma_wait3A_51 = tpu.memref_slice %arg5[%dma_wait3A_50] : memref<32xi32, #tpu.memory_space<vmem>> -> memref<20xi32, #tpu.memory_space<vmem>>
        %dma_wait3A_52 = arith.constant 0 : i32
        %dma_wait3A_53 = tpu.memref_slice %arg5[%dma_wait3A_52] : memref<32xi32, #tpu.memory_space<vmem>> -> memref<20xi32, #tpu.memory_space<vmem>>
        tpu.wait_dma2 semaphore(%run_scoped3A : memref<!tpu.dma_semaphore, #tpu.memory_space<semaphore_mem>>) src(%arg2 : memref<20xi32, #tpu.memory_space<hbm>>) dst(%dma_wait3A_53 : memref<20xi32, #tpu.memory_space<vmem>>)
        tpu.yield
      }) : () -> ()
      %iota3A = tpu.iota {dimensions = array<i32: 0>} : vector<16xi32>
      %get3A = arith.constant 0 : index
      %get3A_3 = tpu.vector_load %arg5[%get3A] {strides = array<i32>} : memref<32xi32, #tpu.memory_space<vmem>>, vector<16xi32>,
      %get3A_4 = arith.constant 16 : index
      %get3A_5 = tpu.vector_load %arg5[%get3A_4] {strides = array<i32>} : memref<32xi32, #tpu.memory_space<vmem>>, vector<16xi32>,
      %broadcast_in_dim3A = vector.broadcast %add3A : i32 to vector<16xi32>
      %broadcast_in_dim3A_6 = arith.constant 16 : i32
      %broadcast_in_dim3A_7 = vector.broadcast %broadcast_in_dim3A_6 : i32 to vector<16xi32>
      %lt3A_8 = arith.cmpi slt, %broadcast_in_dim3A, %broadcast_in_dim3A_7 : vector<16xi32>
      %select_n3A = arith.select %lt3A_8, %get3A_3, %get3A_5 : vector<16xi1>, vector<16xi32>
      %and3A = arith.constant 15 : i32
      %and3A_9 = arith.andi %add3A, %and3A : i32
      %eq3A = vector.broadcast %and3A_9 : i32 to vector<16xi32>
      %eq3A_10 = arith.cmpi eq, %iota3A, %eq3A : vector<16xi32>
      %broadcast_in_dim3A_11 = arith.constant 0 : i32
      %broadcast_in_dim3A_12 = vector.broadcast %broadcast_in_dim3A_11 : i32 to vector<16xi32>
      %select_n3A_13 = arith.select %eq3A_10, %select_n3A, %broadcast_in_dim3A_12 : vector<16xi1>, vector<16xi32>
      %reduce_max3A = arith.constant true
      %reduce_max3A_14 = vector.broadcast %reduce_max3A : i1 to vector<16xi1>
      %reduce_max3A_15 = arith.constant -2147483648 : i32
      %reduce_max3A_16 = vector.broadcast %reduce_max3A_15 : i32 to vector<16xi32>
      %reduce_max3A_17 = arith.xori %select_n3A_13, %reduce_max3A_16 : vector<16xi32>
      %reduce_max3A_18 = tpu.scan <max>, %reduce_max3A_17 masked %reduce_max3A_14 : vector<16xi32>, vector<16xi1> -> vector<16xi32>
      %reduce_max3A_19 = arith.xori %reduce_max3A_18, %reduce_max3A_16 : vector<16xi32>
      %reduce_max3A_20 = vector.extract %reduce_max3A_19[15] : i32 from vector<16xi32>
      %shift_right_arithmetic3A = arith.constant 7 : i32
      %shift_right_arithmetic3A_21 = arith.shrsi %reduce_max3A_20, %shift_right_arithmetic3A : i32
      %mul3A_22 = arith.constant 128 : i32
      %mul3A_23 = arith.muli %shift_right_arithmetic3A_21, %mul3A_22 : i32
      %multiple_of3A = tpu.assume_multiple %mul3A_23, 128 : i32
      %dma_start3A = arith.constant 0 : i32
      %dma_start3A_24 = tpu.memref_slice %arg3[%dma_start3A, %multiple_of3A] : memref<64x100000xf32, #tpu.memory_space<hbm>> -> memref<64x128xf32, #tpu.memory_space<hbm>>
      %dma_start3A_25 = arith.constant 0 : i32
      %dma_start3A_26 = tpu.memref_slice %arg3[%dma_start3A_25, %multiple_of3A] : memref<64x100000xf32, #tpu.memory_space<hbm>> -> memref<64x128xf32, #tpu.memory_space<hbm>>
      tpu.enqueue_dma source(%dma_start3A_26 : memref<64x128xf32, #tpu.memory_space<hbm>>) target(%arg6 : memref<64x128xf32, #tpu.memory_space<vmem>>) target_semaphore(%arg7 : memref<!tpu.dma_semaphore, #tpu.memory_space<semaphore_mem>>)
      %dma_wait3A = arith.constant 0 : i32
      %dma_wait3A_27 = tpu.memref_slice %arg3[%dma_wait3A, %multiple_of3A] : memref<64x100000xf32, #tpu.memory_space<hbm>> -> memref<64x128xf32, #tpu.memory_space<hbm>>
      %dma_wait3A_28 = arith.constant 0 : i32
      %dma_wait3A_29 = tpu.memref_slice %arg3[%dma_wait3A_28, %multiple_of3A] : memref<64x100000xf32, #tpu.memory_space<hbm>> -> memref<64x128xf32, #tpu.memory_space<hbm>>
      tpu.wait_dma2 semaphore(%arg7 : memref<!tpu.dma_semaphore, #tpu.memory_space<semaphore_mem>>) src(%dma_wait3A_29 : memref<64x128xf32, #tpu.memory_space<hbm>>) dst(%arg6 : memref<64x128xf32, #tpu.memory_space<vmem>>)
      %dma_start3A_30 = arith.constant 0 : i32
      %dma_start3A_31 = arith.constant 0 : i32
      %dma_start3A_32 = tpu.memref_slice %arg4[%add3A, %dma_start3A_30, %dma_start3A_31] : memref<20x64x128xf32, #tpu.memory_space<hbm>> -> memref<1x64x128xf32, #tpu.memory_space<hbm>>
      %dma_start3A_33 = tpu.memref_squeeze %dma_start3A_32 : memref<1x64x128xf32, #tpu.memory_space<hbm>> -> memref<64x128xf32, #tpu.memory_space<hbm>>
      %dma_start3A_34 = arith.constant 0 : i32
      %dma_start3A_35 = arith.constant 0 : i32
      %dma_start3A_36 = tpu.memref_slice %arg4[%add3A, %dma_start3A_34, %dma_start3A_35] : memref<20x64x128xf32, #tpu.memory_space<hbm>> -> memref<1x64x128xf32, #tpu.memory_space<hbm>>
      %dma_start3A_37 = tpu.memref_squeeze %dma_start3A_36 : memref<1x64x128xf32, #tpu.memory_space<hbm>> -> memref<64x128xf32, #tpu.memory_space<hbm>>
      tpu.enqueue_dma source(%arg6 : memref<64x128xf32, #tpu.memory_space<vmem>>) target(%dma_start3A_37 : memref<64x128xf32, #tpu.memory_space<hbm>>) target_semaphore(%arg8 : memref<!tpu.dma_semaphore, #tpu.memory_space<semaphore_mem>>)
      %dma_wait3A_38 = arith.constant 0 : i32
      %dma_wait3A_39 = arith.constant 0 : i32
      %dma_wait3A_40 = tpu.memref_slice %arg4[%add3A, %dma_wait3A_38, %dma_wait3A_39] : memref<20x64x128xf32, #tpu.memory_space<hbm>> -> memref<1x64x128xf32, #tpu.memory_space<hbm>>
      %dma_wait3A_41 = tpu.memref_squeeze %dma_wait3A_40 : memref<1x64x128xf32, #tpu.memory_space<hbm>> -> memref<64x128xf32, #tpu.memory_space<hbm>>
      %dma_wait3A_42 = arith.constant 0 : i32
      %dma_wait3A_43 = arith.constant 0 : i32
      %dma_wait3A_44 = tpu.memref_slice %arg4[%add3A, %dma_wait3A_42, %dma_wait3A_43] : memref<20x64x128xf32, #tpu.memory_space<hbm>> -> memref<1x64x128xf32, #tpu.memory_space<hbm>>
      %dma_wait3A_45 = tpu.memref_squeeze %dma_wait3A_44 : memref<1x64x128xf32, #tpu.memory_space<hbm>> -> memref<64x128xf32, #tpu.memory_space<hbm>>
      tpu.wait_dma2 semaphore(%arg8 : memref<!tpu.dma_semaphore, #tpu.memory_space<semaphore_mem>>) src(%arg6 : memref<64x128xf32, #tpu.memory_space<vmem>>) dst(%dma_wait3A_45 : memref<64x128xf32, #tpu.memory_space<hbm>>)
    } else {
    }
    return
  }
}

module attributes {stable_mosaic.version = 14 : i64} {
  func.func @_mlp_body(%arg0: i32, %arg1: memref<20x64x128xf32, #tpu.memory_space<hbm>>, %arg2: memref<20x1x1xi32, #tpu.memory_space<hbm>>, %arg3: memref<128x1280xf32, #tpu.memory_space<hbm>>, %arg4: memref<1x128xf32, #tpu.memory_space<hbm>>, %arg5: memref<5000x128xf32, #tpu.memory_space<vmem>>, %arg6: memref<20x5000xf32, #tpu.memory_space<hbm>>, %arg7: memref<20x5000xf32, #tpu.memory_space<hbm>>, %arg8: memref<20x64x128xf32, #tpu.memory_space<vmem>>, %arg9: memref<20x1x1xi32, #tpu.memory_space<vmem>>, %arg10: memref<128x1280xf32, #tpu.memory_space<vmem>>, %arg11: memref<1x128xf32, #tpu.memory_space<vmem>>, %arg12: memref<1x128xf32, #tpu.memory_space<vmem>>, %arg13: memref<20x5000xf32, #tpu.memory_space<vmem>>, %arg14: memref<20x5000xf32, #tpu.memory_space<vmem>>, %arg15: memref<1x1xf32, #tpu.memory_space<vmem>>, %arg16: memref<1x1xf32, #tpu.memory_space<vmem>>, %arg17: memref<!tpu.dma_semaphore, #tpu.memory_space<semaphore_mem>>, %arg18: memref<!tpu.dma_semaphore, #tpu.memory_space<semaphore_mem>>, %arg19: memref<!tpu.dma_semaphore, #tpu.memory_space<semaphore_mem>>, %arg20: memref<!tpu.dma_semaphore, #tpu.memory_space<semaphore_mem>>, %arg21: memref<!tpu.dma_semaphore, #tpu.memory_space<semaphore_mem>>, %arg22: memref<!tpu.dma_semaphore, #tpu.memory_space<semaphore_mem>>) attributes {dimension_semantics = [#tpu.dimension_semantics<arbitrary>], iteration_bounds = array<i64: 20>, scalar_prefetch = 0 : i64, scratch_operands = 15 : i64, tpu.core_type = #tpu.core_type<tc>, window_params = [{}, {}, {}, {}, {transform_indices = @transform_4, window_bounds = array<i64: 5000, 128>}, {}, {}]} {
    %eq3A = arith.constant 0 : i32
    %eq3A_0 = arith.cmpi eq, %arg0, %eq3A : i32
    %convert_element_type3A = arith.extui %eq3A_0 : i1 to i32
    %cond3A = arith.constant 0 : i32
    %cond3A_1 = arith.cmpi ne, %convert_element_type3A, %cond3A : i32
    scf.if %cond3A_1 {
      tpu.enqueue_dma source(%arg1 : memref<20x64x128xf32, #tpu.memory_space<hbm>>) target(%arg8 : memref<20x64x128xf32, #tpu.memory_space<vmem>>) target_semaphore(%arg17 : memref<!tpu.dma_semaphore, #tpu.memory_space<semaphore_mem>>)
      tpu.enqueue_dma source(%arg2 : memref<20x1x1xi32, #tpu.memory_space<hbm>>) target(%arg9 : memref<20x1x1xi32, #tpu.memory_space<vmem>>) target_semaphore(%arg18 : memref<!tpu.dma_semaphore, #tpu.memory_space<semaphore_mem>>)
      tpu.enqueue_dma source(%arg3 : memref<128x1280xf32, #tpu.memory_space<hbm>>) target(%arg10 : memref<128x1280xf32, #tpu.memory_space<vmem>>) target_semaphore(%arg19 : memref<!tpu.dma_semaphore, #tpu.memory_space<semaphore_mem>>)
      tpu.enqueue_dma source(%arg4 : memref<1x128xf32, #tpu.memory_space<hbm>>) target(%arg11 : memref<1x128xf32, #tpu.memory_space<vmem>>) target_semaphore(%arg20 : memref<!tpu.dma_semaphore, #tpu.memory_space<semaphore_mem>>)
      tpu.enqueue_dma source(%arg6 : memref<20x5000xf32, #tpu.memory_space<hbm>>) target(%arg14 : memref<20x5000xf32, #tpu.memory_space<vmem>>) target_semaphore(%arg21 : memref<!tpu.dma_semaphore, #tpu.memory_space<semaphore_mem>>)
      tpu.wait_dma2 semaphore(%arg17 : memref<!tpu.dma_semaphore, #tpu.memory_space<semaphore_mem>>) src(%arg1 : memref<20x64x128xf32, #tpu.memory_space<hbm>>) dst(%arg8 : memref<20x64x128xf32, #tpu.memory_space<vmem>>)
      tpu.wait_dma2 semaphore(%arg18 : memref<!tpu.dma_semaphore, #tpu.memory_space<semaphore_mem>>) src(%arg2 : memref<20x1x1xi32, #tpu.memory_space<hbm>>) dst(%arg9 : memref<20x1x1xi32, #tpu.memory_space<vmem>>)
      tpu.wait_dma2 semaphore(%arg19 : memref<!tpu.dma_semaphore, #tpu.memory_space<semaphore_mem>>) src(%arg3 : memref<128x1280xf32, #tpu.memory_space<hbm>>) dst(%arg10 : memref<128x1280xf32, #tpu.memory_space<vmem>>)
      tpu.wait_dma2 semaphore(%arg20 : memref<!tpu.dma_semaphore, #tpu.memory_space<semaphore_mem>>) src(%arg4 : memref<1x128xf32, #tpu.memory_space<hbm>>) dst(%arg11 : memref<1x128xf32, #tpu.memory_space<vmem>>)
      tpu.wait_dma2 semaphore(%arg21 : memref<!tpu.dma_semaphore, #tpu.memory_space<semaphore_mem>>) src(%arg6 : memref<20x5000xf32, #tpu.memory_space<hbm>>) dst(%arg14 : memref<20x5000xf32, #tpu.memory_space<vmem>>)
      %iota3A = tpu.iota {dimensions = array<i32: 2>} : vector<20x64x128xi32>
      %get3A_28 = arith.constant 0 : index
      %get3A_29 = arith.constant 0 : index
      %get3A_30 = arith.constant 0 : index
      %get3A_31 = vector.load %arg9[%get3A_28, %get3A_29, %get3A_30] : memref<20x1x1xi32, #tpu.memory_space<vmem>>, vector<20x1x1xi32>
      %eq3A_32 = vector.broadcast %get3A_31 : vector<20x1x1xi32> to vector<20x64x128xi32>
      %eq3A_33 = arith.cmpi eq, %iota3A, %eq3A_32 : vector<20x64x128xi32>
      %get3A_34 = arith.constant 0 : index
      %get3A_35 = arith.constant 0 : index
      %get3A_36 = arith.constant 0 : index
      %get3A_37 = vector.load %arg8[%get3A_34, %get3A_35, %get3A_36] : memref<20x64x128xf32, #tpu.memory_space<vmem>>, vector<20x64x128xf32>
      %jit3A = arith.constant 0.000000e+00 : f32
      %broadcast_in_dim3A_38 = vector.broadcast %jit3A : f32 to vector<20x64x128xf32>
      %select_n3A = arith.select %eq3A_33, %get3A_37, %broadcast_in_dim3A_38 : vector<20x64x128xi1>, vector<20x64x128xf32>
      %reduce_sum3A = arith.constant dense<0.000000e+00> : vector<20x64xf32>
      %reduce_sum3A_39 = vector.multi_reduction <add>, %select_n3A, %reduce_sum3A [2] : vector<20x64x128xf32> to vector<20x64xf32>
      %broadcast_in_dim3A_40 = arith.constant 0.000000e+00 : f32
      %broadcast_in_dim3A_41 = vector.broadcast %broadcast_in_dim3A_40 : f32 to vector<1x128xf32>
      %slice3A = vector.extract_strided_slice %reduce_sum3A_39 {offsets = [0, 0], sizes = [1, 64], strides = [1, 1]} : vector<20x64xf32> to vector<1x64xf32>
      %get3A_42 = arith.constant 0 : index
      %get3A_43 = arith.constant 0 : index
      %get3A_44 = vector.load %arg10[%get3A_42, %get3A_43] : memref<128x1280xf32, #tpu.memory_space<vmem>>, vector<128x64xf32>
      %dot_general3A_45 = arith.constant dense<0.000000e+00> : vector<1x128xf32>
      %dot_general3A_46 = tpu.matmul %slice3A, %get3A_44, %dot_general3A_45 {dimension_numbers = #tpu.dot_dimension_numbers<[1], [1], [0], [0], [0, 0, 1, 0], [], []>, transpose_lhs_hint = false} : vector<1x64xf32>, vector<128x64xf32>, vector<1x128xf32> -> vector<1x128xf32>
      %add3A_47 = arith.addf %broadcast_in_dim3A_41, %dot_general3A_46 : vector<1x128xf32>
      %slice3A_48 = vector.extract_strided_slice %reduce_sum3A_39 {offsets = [1, 0], sizes = [1, 64], strides = [1, 1]} : vector<20x64xf32> to vector<1x64xf32>
      %get3A_49 = arith.constant 0 : index
      %get3A_50 = arith.constant 64 : index
      %get3A_51 = vector.load %arg10[%get3A_49, %get3A_50] : memref<128x1280xf32, #tpu.memory_space<vmem>>, vector<128x64xf32>
      %dot_general3A_52 = arith.constant dense<0.000000e+00> : vector<1x128xf32>
      %dot_general3A_53 = tpu.matmul %slice3A_48, %get3A_51, %dot_general3A_52 {dimension_numbers = #tpu.dot_dimension_numbers<[1], [1], [0], [0], [0, 0, 1, 0], [], []>, transpose_lhs_hint = false} : vector<1x64xf32>, vector<128x64xf32>, vector<1x128xf32> -> vector<1x128xf32>
      %add3A_54 = arith.addf %add3A_47, %dot_general3A_53 : vector<1x128xf32>
      %slice3A_55 = vector.extract_strided_slice %reduce_sum3A_39 {offsets = [2, 0], sizes = [1, 64], strides = [1, 1]} : vector<20x64xf32> to vector<1x64xf32>
      %get3A_56 = arith.constant 0 : index
      %get3A_57 = arith.constant 128 : index
      %get3A_58 = vector.load %arg10[%get3A_56, %get3A_57] : memref<128x1280xf32, #tpu.memory_space<vmem>>, vector<128x64xf32>
      %dot_general3A_59 = arith.constant dense<0.000000e+00> : vector<1x128xf32>
      %dot_general3A_60 = tpu.matmul %slice3A_55, %get3A_58, %dot_general3A_59 {dimension_numbers = #tpu.dot_dimension_numbers<[1], [1], [0], [0], [0, 0, 1, 0], [], []>, transpose_lhs_hint = false} : vector<1x64xf32>, vector<128x64xf32>, vector<1x128xf32> -> vector<1x128xf32>
      %add3A_61 = arith.addf %add3A_54, %dot_general3A_60 : vector<1x128xf32>
      %slice3A_62 = vector.extract_strided_slice %reduce_sum3A_39 {offsets = [3, 0], sizes = [1, 64], strides = [1, 1]} : vector<20x64xf32> to vector<1x64xf32>
      %get3A_63 = arith.constant 0 : index
      %get3A_64 = arith.constant 192 : index
      %get3A_65 = vector.load %arg10[%get3A_63, %get3A_64] : memref<128x1280xf32, #tpu.memory_space<vmem>>, vector<128x64xf32>
      %dot_general3A_66 = arith.constant dense<0.000000e+00> : vector<1x128xf32>
      %dot_general3A_67 = tpu.matmul %slice3A_62, %get3A_65, %dot_general3A_66 {dimension_numbers = #tpu.dot_dimension_numbers<[1], [1], [0], [0], [0, 0, 1, 0], [], []>, transpose_lhs_hint = false} : vector<1x64xf32>, vector<128x64xf32>, vector<1x128xf32> -> vector<1x128xf32>
      %add3A_68 = arith.addf %add3A_61, %dot_general3A_67 : vector<1x128xf32>
      %slice3A_69 = vector.extract_strided_slice %reduce_sum3A_39 {offsets = [4, 0], sizes = [1, 64], strides = [1, 1]} : vector<20x64xf32> to vector<1x64xf32>
      %get3A_70 = arith.constant 0 : index
      %get3A_71 = arith.constant 256 : index
      %get3A_72 = vector.load %arg10[%get3A_70, %get3A_71] : memref<128x1280xf32, #tpu.memory_space<vmem>>, vector<128x64xf32>
      %dot_general3A_73 = arith.constant dense<0.000000e+00> : vector<1x128xf32>
      %dot_general3A_74 = tpu.matmul %slice3A_69, %get3A_72, %dot_general3A_73 {dimension_numbers = #tpu.dot_dimension_numbers<[1], [1], [0], [0], [0, 0, 1, 0], [], []>, transpose_lhs_hint = false} : vector<1x64xf32>, vector<128x64xf32>, vector<1x128xf32> -> vector<1x128xf32>
      %add3A_75 = arith.addf %add3A_68, %dot_general3A_74 : vector<1x128xf32>
      %slice3A_76 = vector.extract_strided_slice %reduce_sum3A_39 {offsets = [5, 0], sizes = [1, 64], strides = [1, 1]} : vector<20x64xf32> to vector<1x64xf32>
      %get3A_77 = arith.constant 0 : index
      %get3A_78 = arith.constant 320 : index
      %get3A_79 = vector.load %arg10[%get3A_77, %get3A_78] : memref<128x1280xf32, #tpu.memory_space<vmem>>, vector<128x64xf32>
      %dot_general3A_80 = arith.constant dense<0.000000e+00> : vector<1x128xf32>
      %dot_general3A_81 = tpu.matmul %slice3A_76, %get3A_79, %dot_general3A_80 {dimension_numbers = #tpu.dot_dimension_numbers<[1], [1], [0], [0], [0, 0, 1, 0], [], []>, transpose_lhs_hint = false} : vector<1x64xf32>, vector<128x64xf32>, vector<1x128xf32> -> vector<1x128xf32>
      %add3A_82 = arith.addf %add3A_75, %dot_general3A_81 : vector<1x128xf32>
      %slice3A_83 = vector.extract_strided_slice %reduce_sum3A_39 {offsets = [6, 0], sizes = [1, 64], strides = [1, 1]} : vector<20x64xf32> to vector<1x64xf32>
      %get3A_84 = arith.constant 0 : index
      %get3A_85 = arith.constant 384 : index
      %get3A_86 = vector.load %arg10[%get3A_84, %get3A_85] : memref<128x1280xf32, #tpu.memory_space<vmem>>, vector<128x64xf32>
      %dot_general3A_87 = arith.constant dense<0.000000e+00> : vector<1x128xf32>
      %dot_general3A_88 = tpu.matmul %slice3A_83, %get3A_86, %dot_general3A_87 {dimension_numbers = #tpu.dot_dimension_numbers<[1], [1], [0], [0], [0, 0, 1, 0], [], []>, transpose_lhs_hint = false} : vector<1x64xf32>, vector<128x64xf32>, vector<1x128xf32> -> vector<1x128xf32>
      %add3A_89 = arith.addf %add3A_82, %dot_general3A_88 : vector<1x128xf32>
      %slice3A_90 = vector.extract_strided_slice %reduce_sum3A_39 {offsets = [7, 0], sizes = [1, 64], strides = [1, 1]} : vector<20x64xf32> to vector<1x64xf32>
      %get3A_91 = arith.constant 0 : index
      %get3A_92 = arith.constant 448 : index
      %get3A_93 = vector.load %arg10[%get3A_91, %get3A_92] : memref<128x1280xf32, #tpu.memory_space<vmem>>, vector<128x64xf32>
      %dot_general3A_94 = arith.constant dense<0.000000e+00> : vector<1x128xf32>
      %dot_general3A_95 = tpu.matmul %slice3A_90, %get3A_93, %dot_general3A_94 {dimension_numbers = #tpu.dot_dimension_numbers<[1], [1], [0], [0], [0, 0, 1, 0], [], []>, transpose_lhs_hint = false} : vector<1x64xf32>, vector<128x64xf32>, vector<1x128xf32> -> vector<1x128xf32>
      %add3A_96 = arith.addf %add3A_89, %dot_general3A_95 : vector<1x128xf32>
      %slice3A_97 = vector.extract_strided_slice %reduce_sum3A_39 {offsets = [8, 0], sizes = [1, 64], strides = [1, 1]} : vector<20x64xf32> to vector<1x64xf32>
      %get3A_98 = arith.constant 0 : index
      %get3A_99 = arith.constant 512 : index
      %get3A_100 = vector.load %arg10[%get3A_98, %get3A_99] : memref<128x1280xf32, #tpu.memory_space<vmem>>, vector<128x64xf32>
      %dot_general3A_101 = arith.constant dense<0.000000e+00> : vector<1x128xf32>
      %dot_general3A_102 = tpu.matmul %slice3A_97, %get3A_100, %dot_general3A_101 {dimension_numbers = #tpu.dot_dimension_numbers<[1], [1], [0], [0], [0, 0, 1, 0], [], []>, transpose_lhs_hint = false} : vector<1x64xf32>, vector<128x64xf32>, vector<1x128xf32> -> vector<1x128xf32>
      %add3A_103 = arith.addf %add3A_96, %dot_general3A_102 : vector<1x128xf32>
      %slice3A_104 = vector.extract_strided_slice %reduce_sum3A_39 {offsets = [9, 0], sizes = [1, 64], strides = [1, 1]} : vector<20x64xf32> to vector<1x64xf32>
      %get3A_105 = arith.constant 0 : index
      %get3A_106 = arith.constant 576 : index
      %get3A_107 = vector.load %arg10[%get3A_105, %get3A_106] : memref<128x1280xf32, #tpu.memory_space<vmem>>, vector<128x64xf32>
      %dot_general3A_108 = arith.constant dense<0.000000e+00> : vector<1x128xf32>
      %dot_general3A_109 = tpu.matmul %slice3A_104, %get3A_107, %dot_general3A_108 {dimension_numbers = #tpu.dot_dimension_numbers<[1], [1], [0], [0], [0, 0, 1, 0], [], []>, transpose_lhs_hint = false} : vector<1x64xf32>, vector<128x64xf32>, vector<1x128xf32> -> vector<1x128xf32>
      %add3A_110 = arith.addf %add3A_103, %dot_general3A_109 : vector<1x128xf32>
      %slice3A_111 = vector.extract_strided_slice %reduce_sum3A_39 {offsets = [10, 0], sizes = [1, 64], strides = [1, 1]} : vector<20x64xf32> to vector<1x64xf32>
      %get3A_112 = arith.constant 0 : index
      %get3A_113 = arith.constant 640 : index
      %get3A_114 = vector.load %arg10[%get3A_112, %get3A_113] : memref<128x1280xf32, #tpu.memory_space<vmem>>, vector<128x64xf32>
      %dot_general3A_115 = arith.constant dense<0.000000e+00> : vector<1x128xf32>
      %dot_general3A_116 = tpu.matmul %slice3A_111, %get3A_114, %dot_general3A_115 {dimension_numbers = #tpu.dot_dimension_numbers<[1], [1], [0], [0], [0, 0, 1, 0], [], []>, transpose_lhs_hint = false} : vector<1x64xf32>, vector<128x64xf32>, vector<1x128xf32> -> vector<1x128xf32>
      %add3A_117 = arith.addf %add3A_110, %dot_general3A_116 : vector<1x128xf32>
      %slice3A_118 = vector.extract_strided_slice %reduce_sum3A_39 {offsets = [11, 0], sizes = [1, 64], strides = [1, 1]} : vector<20x64xf32> to vector<1x64xf32>
      %get3A_119 = arith.constant 0 : index
      %get3A_120 = arith.constant 704 : index
      %get3A_121 = vector.load %arg10[%get3A_119, %get3A_120] : memref<128x1280xf32, #tpu.memory_space<vmem>>, vector<128x64xf32>
      %dot_general3A_122 = arith.constant dense<0.000000e+00> : vector<1x128xf32>
      %dot_general3A_123 = tpu.matmul %slice3A_118, %get3A_121, %dot_general3A_122 {dimension_numbers = #tpu.dot_dimension_numbers<[1], [1], [0], [0], [0, 0, 1, 0], [], []>, transpose_lhs_hint = false} : vector<1x64xf32>, vector<128x64xf32>, vector<1x128xf32> -> vector<1x128xf32>
      %add3A_124 = arith.addf %add3A_117, %dot_general3A_123 : vector<1x128xf32>
      %slice3A_125 = vector.extract_strided_slice %reduce_sum3A_39 {offsets = [12, 0], sizes = [1, 64], strides = [1, 1]} : vector<20x64xf32> to vector<1x64xf32>
      %get3A_126 = arith.constant 0 : index
      %get3A_127 = arith.constant 768 : index
      %get3A_128 = vector.load %arg10[%get3A_126, %get3A_127] : memref<128x1280xf32, #tpu.memory_space<vmem>>, vector<128x64xf32>
      %dot_general3A_129 = arith.constant dense<0.000000e+00> : vector<1x128xf32>
      %dot_general3A_130 = tpu.matmul %slice3A_125, %get3A_128, %dot_general3A_129 {dimension_numbers = #tpu.dot_dimension_numbers<[1], [1], [0], [0], [0, 0, 1, 0], [], []>, transpose_lhs_hint = false} : vector<1x64xf32>, vector<128x64xf32>, vector<1x128xf32> -> vector<1x128xf32>
      %add3A_131 = arith.addf %add3A_124, %dot_general3A_130 : vector<1x128xf32>
      %slice3A_132 = vector.extract_strided_slice %reduce_sum3A_39 {offsets = [13, 0], sizes = [1, 64], strides = [1, 1]} : vector<20x64xf32> to vector<1x64xf32>
      %get3A_133 = arith.constant 0 : index
      %get3A_134 = arith.constant 832 : index
      %get3A_135 = vector.load %arg10[%get3A_133, %get3A_134] : memref<128x1280xf32, #tpu.memory_space<vmem>>, vector<128x64xf32>
      %dot_general3A_136 = arith.constant dense<0.000000e+00> : vector<1x128xf32>
      %dot_general3A_137 = tpu.matmul %slice3A_132, %get3A_135, %dot_general3A_136 {dimension_numbers = #tpu.dot_dimension_numbers<[1], [1], [0], [0], [0, 0, 1, 0], [], []>, transpose_lhs_hint = false} : vector<1x64xf32>, vector<128x64xf32>, vector<1x128xf32> -> vector<1x128xf32>
      %add3A_138 = arith.addf %add3A_131, %dot_general3A_137 : vector<1x128xf32>
      %slice3A_139 = vector.extract_strided_slice %reduce_sum3A_39 {offsets = [14, 0], sizes = [1, 64], strides = [1, 1]} : vector<20x64xf32> to vector<1x64xf32>
      %get3A_140 = arith.constant 0 : index
      %get3A_141 = arith.constant 896 : index
      %get3A_142 = vector.load %arg10[%get3A_140, %get3A_141] : memref<128x1280xf32, #tpu.memory_space<vmem>>, vector<128x64xf32>
      %dot_general3A_143 = arith.constant dense<0.000000e+00> : vector<1x128xf32>
      %dot_general3A_144 = tpu.matmul %slice3A_139, %get3A_142, %dot_general3A_143 {dimension_numbers = #tpu.dot_dimension_numbers<[1], [1], [0], [0], [0, 0, 1, 0], [], []>, transpose_lhs_hint = false} : vector<1x64xf32>, vector<128x64xf32>, vector<1x128xf32> -> vector<1x128xf32>
      %add3A_145 = arith.addf %add3A_138, %dot_general3A_144 : vector<1x128xf32>
      %slice3A_146 = vector.extract_strided_slice %reduce_sum3A_39 {offsets = [15, 0], sizes = [1, 64], strides = [1, 1]} : vector<20x64xf32> to vector<1x64xf32>
      %get3A_147 = arith.constant 0 : index
      %get3A_148 = arith.constant 960 : index
      %get3A_149 = vector.load %arg10[%get3A_147, %get3A_148] : memref<128x1280xf32, #tpu.memory_space<vmem>>, vector<128x64xf32>
      %dot_general3A_150 = arith.constant dense<0.000000e+00> : vector<1x128xf32>
      %dot_general3A_151 = tpu.matmul %slice3A_146, %get3A_149, %dot_general3A_150 {dimension_numbers = #tpu.dot_dimension_numbers<[1], [1], [0], [0], [0, 0, 1, 0], [], []>, transpose_lhs_hint = false} : vector<1x64xf32>, vector<128x64xf32>, vector<1x128xf32> -> vector<1x128xf32>
      %add3A_152 = arith.addf %add3A_145, %dot_general3A_151 : vector<1x128xf32>
      %slice3A_153 = vector.extract_strided_slice %reduce_sum3A_39 {offsets = [16, 0], sizes = [1, 64], strides = [1, 1]} : vector<20x64xf32> to vector<1x64xf32>
      %get3A_154 = arith.constant 0 : index
      %get3A_155 = arith.constant 1024 : index
      %get3A_156 = vector.load %arg10[%get3A_154, %get3A_155] : memref<128x1280xf32, #tpu.memory_space<vmem>>, vector<128x64xf32>
      %dot_general3A_157 = arith.constant dense<0.000000e+00> : vector<1x128xf32>
      %dot_general3A_158 = tpu.matmul %slice3A_153, %get3A_156, %dot_general3A_157 {dimension_numbers = #tpu.dot_dimension_numbers<[1], [1], [0], [0], [0, 0, 1, 0], [], []>, transpose_lhs_hint = false} : vector<1x64xf32>, vector<128x64xf32>, vector<1x128xf32> -> vector<1x128xf32>
      %add3A_159 = arith.addf %add3A_152, %dot_general3A_158 : vector<1x128xf32>
      %slice3A_160 = vector.extract_strided_slice %reduce_sum3A_39 {offsets = [17, 0], sizes = [1, 64], strides = [1, 1]} : vector<20x64xf32> to vector<1x64xf32>
      %get3A_161 = arith.constant 0 : index
      %get3A_162 = arith.constant 1088 : index
      %get3A_163 = vector.load %arg10[%get3A_161, %get3A_162] : memref<128x1280xf32, #tpu.memory_space<vmem>>, vector<128x64xf32>
      %dot_general3A_164 = arith.constant dense<0.000000e+00> : vector<1x128xf32>
      %dot_general3A_165 = tpu.matmul %slice3A_160, %get3A_163, %dot_general3A_164 {dimension_numbers = #tpu.dot_dimension_numbers<[1], [1], [0], [0], [0, 0, 1, 0], [], []>, transpose_lhs_hint = false} : vector<1x64xf32>, vector<128x64xf32>, vector<1x128xf32> -> vector<1x128xf32>
      %add3A_166 = arith.addf %add3A_159, %dot_general3A_165 : vector<1x128xf32>
      %slice3A_167 = vector.extract_strided_slice %reduce_sum3A_39 {offsets = [18, 0], sizes = [1, 64], strides = [1, 1]} : vector<20x64xf32> to vector<1x64xf32>
      %get3A_168 = arith.constant 0 : index
      %get3A_169 = arith.constant 1152 : index
      %get3A_170 = vector.load %arg10[%get3A_168, %get3A_169] : memref<128x1280xf32, #tpu.memory_space<vmem>>, vector<128x64xf32>
      %dot_general3A_171 = arith.constant dense<0.000000e+00> : vector<1x128xf32>
      %dot_general3A_172 = tpu.matmul %slice3A_167, %get3A_170, %dot_general3A_171 {dimension_numbers = #tpu.dot_dimension_numbers<[1], [1], [0], [0], [0, 0, 1, 0], [], []>, transpose_lhs_hint = false} : vector<1x64xf32>, vector<128x64xf32>, vector<1x128xf32> -> vector<1x128xf32>
      %add3A_173 = arith.addf %add3A_166, %dot_general3A_172 : vector<1x128xf32>
      %slice3A_174 = vector.extract_strided_slice %reduce_sum3A_39 {offsets = [19, 0], sizes = [1, 64], strides = [1, 1]} : vector<20x64xf32> to vector<1x64xf32>
      %get3A_175 = arith.constant 0 : index
      %get3A_176 = arith.constant 1216 : index
      %get3A_177 = vector.load %arg10[%get3A_175, %get3A_176] : memref<128x1280xf32, #tpu.memory_space<vmem>>, vector<128x64xf32>
      %dot_general3A_178 = arith.constant dense<0.000000e+00> : vector<1x128xf32>
      %dot_general3A_179 = tpu.matmul %slice3A_174, %get3A_177, %dot_general3A_178 {dimension_numbers = #tpu.dot_dimension_numbers<[1], [1], [0], [0], [0, 0, 1, 0], [], []>, transpose_lhs_hint = false} : vector<1x64xf32>, vector<128x64xf32>, vector<1x128xf32> -> vector<1x128xf32>
      %add3A_180 = arith.addf %add3A_173, %dot_general3A_179 : vector<1x128xf32>
      %get3A_181 = arith.constant 0 : index
      %get3A_182 = arith.constant 0 : index
      %get3A_183 = vector.load %arg11[%get3A_181, %get3A_182] : memref<1x128xf32, #tpu.memory_space<vmem>>, vector<1x128xf32>
      %add3A_184 = arith.addf %add3A_180, %get3A_183 : vector<1x128xf32>
      %max3A = arith.constant 0.000000e+00 : f32
      %max3A_185 = vector.broadcast %max3A : f32 to vector<1x128xf32>
      %max3A_186 = arith.maximumf %add3A_184, %max3A_185 : vector<1x128xf32>
      %swap3A_187 = arith.constant 0 : index
      %swap3A_188 = arith.constant 0 : index
      %swap3A_189 = vector.load %arg12[%swap3A_187, %swap3A_188] : memref<1x128xf32, #tpu.memory_space<vmem>>, vector<1x128xf32>
      tpu.vector_store %arg12[%swap3A_187, %swap3A_188], %max3A_186 {strides = array<i32>} : memref<1x128xf32, #tpu.memory_space<vmem>>, vector<1x128xf32>,
    } else {
    }
    %get3A = arith.constant 0 : index
    %get3A_2 = arith.constant 0 : index
    %get3A_3 = vector.load %arg12[%get3A, %get3A_2] : memref<1x128xf32, #tpu.memory_space<vmem>>, vector<1x128xf32>
    %get3A_4 = arith.constant 0 : index
    %get3A_5 = arith.constant 0 : index
    %get3A_6 = vector.load %arg5[%get3A_4, %get3A_5] : memref<5000x128xf32, #tpu.memory_space<vmem>>, vector<5000x128xf32>
    %dot_general3A = arith.constant dense<0.000000e+00> : vector<1x5000xf32>
    %dot_general3A_7 = tpu.matmul %get3A_3, %get3A_6, %dot_general3A {dimension_numbers = #tpu.dot_dimension_numbers<[1], [1], [0], [0], [0, 0, 1, 0], [], []>, transpose_lhs_hint = false} : vector<1x128xf32>, vector<5000x128xf32>, vector<1x5000xf32> -> vector<1x5000xf32>
    %get3A_8 = arith.index_cast %arg0 : i32 to index
    %get3A_9 = arith.constant 0 : index
    %get3A_10 = vector.load %arg14[%get3A_8, %get3A_9] : memref<20x5000xf32, #tpu.memory_space<vmem>>, vector<1x5000xf32>
    %add3A = arith.addf %dot_general3A_7, %get3A_10 : vector<1x5000xf32>
    %swap3A = arith.index_cast %arg0 : i32 to index
    %swap3A_11 = arith.constant 0 : index
    %swap3A_12 = vector.load %arg13[%swap3A, %swap3A_11] : memref<20x5000xf32, #tpu.memory_space<vmem>>, vector<1x5000xf32>
    tpu.vector_store %arg13[%swap3A, %swap3A_11], %add3A {strides = array<i32>} : memref<20x5000xf32, #tpu.memory_space<vmem>>, vector<1x5000xf32>,
    %reduce_max3A = arith.constant dense<0xFF800000> : vector<1xf32>
    %reduce_max3A_13 = vector.multi_reduction <maximumf>, %add3A, %reduce_max3A [1] : vector<1x5000xf32> to vector<1xf32>
    %broadcast_in_dim3A = vector.shape_cast %reduce_max3A_13 : vector<1xf32> to vector<1x1xf32>
    %eq3A_14 = arith.constant 0 : i32
    %eq3A_15 = arith.cmpi eq, %arg0, %eq3A_14 : i32
    %convert_element_type3A_16 = arith.extui %eq3A_15 : i1 to i32
    %cond3A_17 = arith.constant 0 : i32
    %cond3A_18 = arith.cmpi ne, %convert_element_type3A_16, %cond3A_17 : i32
    scf.if %cond3A_18 {
      %swap3A_28 = arith.constant 0 : index
      %swap3A_29 = arith.constant 0 : index
      %swap3A_30 = vector.load %arg15[%swap3A_28, %swap3A_29] : memref<1x1xf32, #tpu.memory_space<vmem>>, vector<1x1xf32>
      tpu.vector_store %arg15[%swap3A_28, %swap3A_29], %broadcast_in_dim3A {strides = array<i32>} : memref<1x1xf32, #tpu.memory_space<vmem>>, vector<1x1xf32>,
      %sub3A = vector.broadcast %broadcast_in_dim3A : vector<1x1xf32> to vector<1x5000xf32>
      %sub3A_31 = arith.subf %add3A, %sub3A : vector<1x5000xf32>
      %exp3A = math.exp %sub3A_31 : vector<1x5000xf32>
      %reduce_sum3A = arith.constant dense<0.000000e+00> : vector<1xf32>
      %reduce_sum3A_32 = vector.multi_reduction <add>, %exp3A, %reduce_sum3A [1] : vector<1x5000xf32> to vector<1xf32>
      %broadcast_in_dim3A_33 = vector.shape_cast %reduce_sum3A_32 : vector<1xf32> to vector<1x1xf32>
      %swap3A_34 = arith.constant 0 : index
      %swap3A_35 = arith.constant 0 : index
      %swap3A_36 = vector.load %arg16[%swap3A_34, %swap3A_35] : memref<1x1xf32, #tpu.memory_space<vmem>>, vector<1x1xf32>
      tpu.vector_store %arg16[%swap3A_34, %swap3A_35], %broadcast_in_dim3A_33 {strides = array<i32>} : memref<1x1xf32, #tpu.memory_space<vmem>>, vector<1x1xf32>,
    } else {
    }
    %gt3A = arith.constant 0 : i32
    %gt3A_19 = arith.cmpi sgt, %arg0, %gt3A : i32
    %convert_element_type3A_20 = arith.extui %gt3A_19 : i1 to i32
    %cond3A_21 = arith.constant 0 : i32
    %cond3A_22 = arith.cmpi ne, %convert_element_type3A_20, %cond3A_21 : i32
    scf.if %cond3A_22 {
      %get3A_28 = arith.constant 0 : index
      %get3A_29 = arith.constant 0 : index
      %get3A_30 = vector.load %arg15[%get3A_28, %get3A_29] : memref<1x1xf32, #tpu.memory_space<vmem>>, vector<1x1xf32>
      %max3A = arith.maximumf %get3A_30, %broadcast_in_dim3A : vector<1x1xf32>
      %get3A_31 = arith.constant 0 : index
      %get3A_32 = arith.constant 0 : index
      %get3A_33 = vector.load %arg16[%get3A_31, %get3A_32] : memref<1x1xf32, #tpu.memory_space<vmem>>, vector<1x1xf32>
      %sub3A = arith.subf %get3A_30, %max3A : vector<1x1xf32>
      %exp3A = math.exp %sub3A : vector<1x1xf32>
      %mul3A = arith.mulf %get3A_33, %exp3A : vector<1x1xf32>
      %sub3A_34 = vector.broadcast %max3A : vector<1x1xf32> to vector<1x5000xf32>
      %sub3A_35 = arith.subf %add3A, %sub3A_34 : vector<1x5000xf32>
      %exp3A_36 = math.exp %sub3A_35 : vector<1x5000xf32>
      %reduce_sum3A = arith.constant dense<0.000000e+00> : vector<1xf32>
      %reduce_sum3A_37 = vector.multi_reduction <add>, %exp3A_36, %reduce_sum3A [1] : vector<1x5000xf32> to vector<1xf32>
      %broadcast_in_dim3A_38 = vector.shape_cast %reduce_sum3A_37 : vector<1xf32> to vector<1x1xf32>
      %add3A_39 = arith.addf %mul3A, %broadcast_in_dim3A_38 : vector<1x1xf32>
      %swap3A_40 = arith.constant 0 : index
      %swap3A_41 = arith.constant 0 : index
      %swap3A_42 = vector.load %arg16[%swap3A_40, %swap3A_41] : memref<1x1xf32, #tpu.memory_space<vmem>>, vector<1x1xf32>
      tpu.vector_store %arg16[%swap3A_40, %swap3A_41], %add3A_39 {strides = array<i32>} : memref<1x1xf32, #tpu.memory_space<vmem>>, vector<1x1xf32>,
      %swap3A_43 = arith.constant 0 : index
      %swap3A_44 = arith.constant 0 : index
      %swap3A_45 = vector.load %arg15[%swap3A_43, %swap3A_44] : memref<1x1xf32, #tpu.memory_space<vmem>>, vector<1x1xf32>
      tpu.vector_store %arg15[%swap3A_43, %swap3A_44], %max3A {strides = array<i32>} : memref<1x1xf32, #tpu.memory_space<vmem>>, vector<1x1xf32>,
    } else {
    }
    %eq3A_23 = arith.constant 19 : i32
    %eq3A_24 = arith.cmpi eq, %arg0, %eq3A_23 : i32
    %convert_element_type3A_25 = arith.extui %eq3A_24 : i1 to i32
    %cond3A_26 = arith.constant 0 : i32
    %cond3A_27 = arith.cmpi ne, %convert_element_type3A_25, %cond3A_26 : i32
    scf.if %cond3A_27 {
      %get3A_28 = arith.constant 0 : index
      %get3A_29 = arith.constant 0 : index
      %get3A_30 = vector.load %arg13[%get3A_28, %get3A_29] : memref<20x5000xf32, #tpu.memory_space<vmem>>, vector<20x5000xf32>
      %get3A_31 = arith.constant 0 : index
      %get3A_32 = arith.constant 0 : index
      %get3A_33 = vector.load %arg15[%get3A_31, %get3A_32] : memref<1x1xf32, #tpu.memory_space<vmem>>, vector<1x1xf32>
      %get3A_34 = arith.constant 0 : index
      %get3A_35 = arith.constant 0 : index
      %get3A_36 = vector.load %arg16[%get3A_34, %get3A_35] : memref<1x1xf32, #tpu.memory_space<vmem>>, vector<1x1xf32>
      %log3A = math.log %get3A_36 : vector<1x1xf32>
      %add3A_37 = arith.addf %get3A_33, %log3A : vector<1x1xf32>
      %sub3A = vector.broadcast %add3A_37 : vector<1x1xf32> to vector<20x5000xf32>
      %sub3A_38 = arith.subf %get3A_30, %sub3A : vector<20x5000xf32>
      %swap3A_39 = arith.constant 0 : index
      %swap3A_40 = arith.constant 0 : index
      %swap3A_41 = vector.load %arg13[%swap3A_39, %swap3A_40] : memref<20x5000xf32, #tpu.memory_space<vmem>>, vector<20x5000xf32>
      tpu.vector_store %arg13[%swap3A_39, %swap3A_40], %sub3A_38 {strides = array<i32>} : memref<20x5000xf32, #tpu.memory_space<vmem>>, vector<20x5000xf32>,
      tpu.enqueue_dma source(%arg13 : memref<20x5000xf32, #tpu.memory_space<vmem>>) target(%arg7 : memref<20x5000xf32, #tpu.memory_space<hbm>>) target_semaphore(%arg22 : memref<!tpu.dma_semaphore, #tpu.memory_space<semaphore_mem>>)
      tpu.wait_dma2 semaphore(%arg22 : memref<!tpu.dma_semaphore, #tpu.memory_space<semaphore_mem>>) src(%arg13 : memref<20x5000xf32, #tpu.memory_space<vmem>>) dst(%arg7 : memref<20x5000xf32, #tpu.memory_space<hbm>>)
    } else {
    }
    return
  }
  func.func @transform_4(%arg0: i32) -> (i32, i32) {
    %c0_i32 = arith.constant 0 : i32
    %c0_i32_0 = arith.constant 0 : i32
    return %arg0, %c0_i32 : i32, i32
  }
}

</mosaic_0001>

<sc_bundles>
// kernel: kernel.4.cloned.1.call-start
scs
__scs_entry_jumppad:
0x0: {  	(pc) =	sbr.rel $0x88, $3  }
0x1: {  	(tag) =	ssettag $0x0;
	lr =	simm.s32 $0x1  }
0x2: {  	[smem:$0x3F9B] =	sst lr;
	_ =	strace $0xD0000000  }
0x3: {  	_ = 	snop  }
0x4: {  	_ = 	snop  }
0x5: {  	_ = 	snop  }
0x6: {  	_ = 	snop  }
0x7: {  	_ = 	snop  }
__scs_overlays_trampoline_lowered:
0x8: {  	[smem:$0x3FAA] =	sst s0  }
0x9: {  	[smem:$0x3FAB] =	sst s1  }
0xa: {  	[smem:$0x3FAC] =	sst s2  }
0xb: {  	[smem:$0x3FAD] =	sst s3  }
0xc: {  	[smem:$0x3FAE] =	sst s4  }
0xd: {  	[smem:$0x3FAF] =	sst s5  }
0xe: {  	[smem:$0x3FB0] =	sst s6  }
0xf: {  	[smem:$0x3FB1] =	sst s7  }
0x10: {  	[smem:$0x3FB2] =	sst s8  }
0x11: {  	[smem:$0x3FB3] =	sst s9;
	s0 =	simm.s32 @!p0 $0x0  }
0x12: {  	s1 =	sld [smem:$0x3F99];
	s0 =	simm.s32 @p0 $0x1  }
0x13: {  	[smem:$0x3FB4] =	sst s0;
	s0 =	simm.s32 @!p1 $0x0  }
0x14: {  	s2 =	sld [smem:$0x3F98];
	s0 =	simm.s32 @p1 $0x1  }
0x15: {  	[smem:$0x3FB5] =	sst s0;
	s0 =	simm.s32 @!p2 $0x0  }
0x16: {  	s3 =	sld [smem:$0x3FDB];
	s0 =	simm.s32 @p2 $0x1  }
0x17: {  	s4 =	simm.s32 $0x1BF5;
	[smem:$0x3FB7] =	sst s0  }
0x18: {  	s0 =	sld [smem:$0x3F9A];
	_ =	swait.ge [sflag:s4], $0x0  }
0x19: {  	s7 =	sld [smem:$0x3F9B]  }
0x1a: {  	s8 =	sadd.s32 $0xFFFFE003, lr  }
0x1b: {  	s9 =	sadd.s32 $0xFFFFFEF7, lr;
	s5 =	simm.s32 $0xFFFFFFFF;
	p2 =	slt.u32 s8, $0xFFFFF086  }
0x1c: {  	p1 =	slt.u32 s9, $0xF7A;
	s5 =	simm.s32 @!p2 $0x0  }
0x1d: {  	s5 =	simm.s32 @p1 $0x1;
	p0 =	seq.s32 s7, s2  }
0x1e: {  	s7 =	smul.u32 @!p0 $0xF7A, s2;
	p2 =	seq.s32 @!p0 s5, $0x0  }
0x1f: {  	s9 =	smul.u32 $0xF7A, s1;
	s8 =	simm.s32 @!p0 $0x1BF5;
	p2 =	por !p2, p0  }
0x20: {  	[sflag:s8] =	ssyncset.s32 @!p0 $0xFFFFF086;
	s6 =	sadd.s32 @!p0 s3, s7;
	s7 =	simm.s32 @!p0 $0x108  }
0x21: {  	s3 =	sadd.s32 s3, s9;
	s6 =	sadd.s32 @!p0 $0x88, s6;
	s7 =	simm.s32 @p2 $0x1082  }
0x22: {  	[simem:s7], [sflag:s8] =	dma.local @!p0 [hbm:s6], $0xF7A  }
0x23: {  	s9 =	sor.u32 $0xD0000000, s2;
	s6 =	simm.s32 $0x108;
	_ =	swait.ge @!p0 [sflag:s8], $0x0  }
0x24: {  	s3 =	sadd.s32 $0x88, s3;
	s6 =	simm.s32 @!p1 $0x1082;
	[sflag:s4] =	ssyncset.s32 $0xFFFFF086  }
0x25: {  	[simem:s6], [sflag:s4] =	dma.local [hbm:s3], $0xF7A  }
0x26: {  	[smem:$0x3F9B] =	sst s1;
	(tag) =	ssettag s2;
	_ =	strace s9  }
0x27: {  	s1 =	sld [smem:$0x3FAB]  }
0x28: {  	s2 =	sld [smem:$0x3FAC]  }
0x29: {  	s4 =	sld [smem:$0x3FAE]  }
0x2a: {  	p0 =	seq.s32 s5, $0x0;
	s5 =	sld [smem:$0x3FAF]  }
0x2b: {  	s6 =	sld [smem:$0x3FB0]  }
0x2c: {  	s7 =	sld [smem:$0x3FB1]  }
0x2d: {  	s3 =	simm.s32 $0x108;
	s8 =	sld [smem:$0x3FB2]  }
0x2e: {  	s3 =	simm.s32 @!p0 $0x1082;
	s9 =	sld [smem:$0x3FB3]  }
0x2f: {  	lr =	sadd.s32 s0, s3;
	s0 =	sld [smem:$0x3FAA]  }
0x30: {  	s3 =	sld [smem:$0x3FAD]  }
0x31: {  	[smem:$0x3FB6] =	sst s10  }
0x32: {  	s10 =	sld [smem:$0x3FB4];
	_ =	sdelay $0x3  }
0x33: {  	p0 =	seq.s32 s10, $0x1;
	s10 =	sld [smem:$0x3FB6];
	_ =	sdelay $0x3  }
0x34: {  	[smem:$0x3FB6] =	sst s10  }
0x35: {  	s10 =	sld [smem:$0x3FB5];
	_ =	sdelay $0x3  }
0x36: {  	p1 =	seq.s32 s10, $0x1;
	s10 =	sld [smem:$0x3FB6];
	_ =	sdelay $0x3  }
0x37: {  	[smem:$0x3FB6] =	sst s10  }
0x38: {  	s10 =	sld [smem:$0x3FB7]  }
0x39: {  	_ = 	snop;
	(pc) =	sbr.ind lr, $3  }
0x3a: {  	_ = 	snop  }
0x3b: {  	_ = 	snop  }
0x3c: {  	p2 =	seq.s32 s10, $0x1;
	s10 =	sld [smem:$0x3FB6]  }
0x3d: {  	_ =	shalt  }
0x3e: {  	_ =	shalt  }
0x3f: {  	_ =	shalt  }
0x40: {  	_ =	shalt  }
0x41: {  	_ =	shalt  }
0x42: {  	_ =	shalt  }
0x43: {  	_ =	shalt  }
0x44: {  	_ =	shalt  }
0x45: {  	_ =	shalt  }
0x46: {  	_ =	shalt  }
0x47: {  	_ =	shalt  }
0x48: {  	_ =	shalt  }
0x49: {  	_ =	shalt  }
0x4a: {  	_ =	shalt  }
0x4b: {  	_ =	shalt  }
0x4c: {  	_ =	shalt  }
0x4d: {  	_ =	shalt  }
0x4e: {  	_ =	shalt  }
0x4f: {  	_ =	shalt  }
0x50: {  	_ =	shalt  }
0x51: {  	_ =	shalt  }
0x52: {  	_ =	shalt  }
0x53: {  	_ =	shalt  }
0x54: {  	_ =	shalt  }
0x55: {  	_ =	shalt  }
0x56: {  	_ =	shalt  }
0x57: {  	_ =	shalt  }
0x58: {  	_ =	shalt  }
0x59: {  	_ =	shalt  }
0x5a: {  	_ =	shalt  }
0x5b: {  	_ =	shalt  }
0x5c: {  	_ =	shalt  }
0x5d: {  	_ =	shalt  }
0x5e: {  	_ =	shalt  }
0x5f: {  	_ =	shalt  }
0x60: {  	_ =	shalt  }
0x61: {  	_ =	shalt  }
0x62: {  	_ =	shalt  }
0x63: {  	_ =	shalt  }
0x64: {  	_ =	shalt  }
0x65: {  	_ =	shalt  }
0x66: {  	_ =	shalt  }
0x67: {  	_ =	shalt  }
0x68: {  	_ =	shalt  }
0x69: {  	_ =	shalt  }
0x6a: {  	_ =	shalt  }
0x6b: {  	_ =	shalt  }
0x6c: {  	_ =	shalt  }
0x6d: {  	_ =	shalt  }
0x6e: {  	_ =	shalt  }
0x6f: {  	_ =	shalt  }
0x70: {  	_ =	shalt  }
0x71: {  	_ =	shalt  }
0x72: {  	_ =	shalt  }
0x73: {  	_ =	shalt  }
0x74: {  	_ =	shalt  }
0x75: {  	_ =	shalt  }
0x76: {  	_ =	shalt  }
0x77: {  	_ =	shalt  }
0x78: {  	_ =	shalt  }
0x79: {  	_ =	shalt  }
0x7a: {  	_ =	shalt  }
0x7b: {  	_ =	shalt  }
0x7c: {  	_ =	shalt  }
0x7d: {  	_ =	shalt  }
0x7e: {  	_ =	shalt  }
0x7f: {  	_ =	shalt  }
0x80: {  	_ =	shalt  }
0x81: {  	_ =	shalt  }
0x82: {  	_ =	shalt  }
0x83: {  	_ =	shalt  }
0x84: {  	_ =	shalt  }
0x85: {  	_ =	shalt  }
0x86: {  	_ =	shalt  }
0x87: {  	_ =	shalt  }
.Lfunc_end0:
.L_simem_size_0:
called_computation_lowered:
.L_overlay_start_0:
0x88: {  	s2 =	sld [smem:$0x3FD9]  }
0x89: {  	s3 =	sld [smem:$0x3FFE];
	_ =	sdelay $0x1  }
0x8a: {  	s1 =	srdreg.scid  }
0x8b: {  	s0 =	sand.u32 $0x1, s1  }
0x8c: {  	s17 =	sshll.u32 s0, $0xA;
	s2 =	sadd.s32 s3, s2  }
0x8d: {  	s2 =	sadd.s32 s2, s17  }
0x8e: {  	[smem:$0x3FC2] =	sst s2  }
0x8f: {  	_ = 	snop  }
0x90: {  	s2 =	sld [smem:$0x3FC9]  }
0x91: {  	s18 =	sld [smem:$0x3FC8];
	(tm) =	ssettm $0x1  }
0x92: {  	s4 =	sld [smem:$0x3FFB];
	_ =	sdelay $0x3  }
0x93: {  	_ =	strace s4  }
0x94: {  	s4 =	sld [smem:$0x3FFC];
	_ =	sdelay $0x3  }
0x95: {  	_ =	strace s4  }
0x96: {  	s4 =	sld [smem:$0x3FFD];
	_ =	sdelay $0x3  }
0x97: {  	_ =	strace s4  }
0x98: {  	_ =	strace $0x8FFFFFFF  }
0x99: {  	s19 =	sld [smem:$0x3FDB];
	_ =	sdelay $0x1  }
0x9a: {  	s5 =	simm.s32 $_scs_section_size  }
0x9b: {  	s6 =	simm.s32 $_size__tile_overlayer_lowered;
	s7 =	simm.s32 $_tile_overlayer_lowered  }
0x9c: {  	s22 =	simm.s32 $0x1BFF;
	s21 =	sshll.u32 s7, $0x1;
	s4 =	sadd.s32 s5, s19  }
0x9d: {  	s8 =	simm.s32 $0x0;
	s20 =	sshll.u32 s6, $0x1;
	s6 =	sadd.s32 s21, s4  }
0x9e: {  	[timem:s8], [sflag:s22] =	dma.local [hbm:s6], s20  }
0x9f: {  	_ =	swait.ge [sflag:s22], s20  }
0xa0: {  	s5 =	ssub.s32 $0x0, s20;
	[sflag:s22] =	ssyncset.done $0x0  }
0xa1: {  	[sflag:s22] =	ssyncadd.s32 s5;
	_ =	sdelay $0x1  }
0xa2: {  	s23 =	simm.s32 $0x1B8B  }
0xa3: {  	_ =	swait.ge [sflag:s23], $0x1  }
0xa4: {  	[sflag:s23] =	ssyncset.done $0x0  }
0xa5: {  	s25 =	simm.s32 $0x1B8E;
	s24 =	sld [smem:$0x3FFE];
	[sflag:s23] =	ssyncadd.s32 $0xFFFFFFFF  }
0xa6: {  	s26 =	simm.s32 $execute0_lowered;
	[smem:$0x3FD2] =	sst s25  }
0xa7: {  	s6 =	sshll.u32 s26, $0x1;
	_ =	strace $0x80000046;
	[dreg:$0x1] =	wrdreg $0xFFFFFFFF  }
0xa8: {  	s28 =	simm.s32 $_size_execute0_lowered;
	s4 =	sadd.s32 s4, s6;
	[dreg:$0x0] =	wrdreg $0x0  }
0xa9: {  	s6 =	sshll.u32 s28, $0x1;
	[dreg:$0x2] =	wrdreg s4  }
0xaa: {  	[dreg:$0x3] =	wrdreg s6  }
0xab: {  	[dreg:$0x4] =	wrdreg $0xC0  }
0xac: {  	_ =	task [dreg:s8], $0x5FFFF  }
0xad: {  	[dreg:$0x1] =	wrdreg $0xFFFFFFFF  }
0xae: {  	[dreg:$0x0] =	wrdreg $0x60  }
0xaf: {  	[dreg:$0x2] =	wrdreg s2  }
0xb0: {  	[dreg:$0x3] =	wrdreg s18  }
0xb1: {  	[dreg:$0x4] =	wrdreg s24  }
0xb2: {  	[dreg:$0x5] =	wrdreg $0x9  }
0xb3: {  	_ =	task.clear_ibuf [dreg:s8], $0x6FFFF;
	_ =	strace $0x90000046  }
0xb4: {  	s29 =	simm.s32 $0x9;
	_ =	strace $0x80000048  }
0xb5: {  	_ =	swait.ge [sflag:s29], $0x1  }
0xb6: {  	[sflag:s29] =	ssyncadd.s32 $0xFFFFFFFF  }
0xb7: {  	_ =	strace $0x90000048  }
0xb8: {  	_ =	sfence  }
0xb9: {  	s30 =	sld [smem:$0x0];
	_ =	sdelay $0x2  }
0xba: {  	s31 =	sshll.u32 s1, $0xD;
	s1 =	sshrl.u32 s1, $0x2  }
0xbb: {  	s3 =	sand.u32 $0x4000, s31;
	s1 =	sadd.s32 s1, s30  }
0xbc: {  	s0 =	sor.u32 s3, s0;
	s1 =	sshll.u32 s1, $0x11  }
0xbd: {  	s0 =	sor.u32 s1, s0  }
0xbe: {  	s0 =	sadd.s32 $0x8F2B, s0  }
0xbf: {  	[sflag:s0] =	ssyncadd.remote.s32 $0x1  }
0xc0: {  	_ =	sfence.sel $0xFFFF  }
0xc1: {  	[dreg:$0x0] =	wrdreg $0xFFFFFFFF;
	(pc) =	sbr.abs _section_cstart, $3  }
0xc2: {  	[dreg:$0x1] =	wrdreg $0xFFFFFFFF  }
0xc3: {  	_ =	task.clear_ibuf [dreg:s8], $0x2FFFF;
	_ =	strace $0x9FFFFFFF  }
0xc4: {  	(tm) =	ssettm $0x7FFFFFFF  }
0xc5: {  	_ =	shalt  }
tec
execute0_lowered:
.L_overlay_start_1:
0x0: {  	(tag) =	ssettag $0x1  }
0x1: {  	s1 =	stileid.u32  }
0x2: {  	p0 =	sgt.u32 s1, $0x9  }
.Ltmp0:
0x3: {  	s2 =	rddreg [dreg:$0x0];
	(pc) =	sbr.rel @p0 .LBB2_4-.Ltmp0, $4  }
0x4: {  	s3 =	rddreg [dreg:$0x1]  }
0x5: {  	s11 =	rddreg [dreg:$0x2];
	s4 =	simm.s32 $0x0  }
0x6: {  	[smem:$0x7FF] =	sst s4  }
0x7: {  	s0 =	rddreg [dreg:$0x3];
	_ =	strace $0x80000047  }
0x8: {  	s5 =	srdreg.scid  }
0x9: {  	[tilespmem:s4], [sflag:$0x3] =	stream.linear.gather [hbm4b:s2+s4], $0x14, $0x38;
	[tilespmem:$0x2080] =	vst v63  }
0xa: {  	s6 =	sshll.u32 s1, $0x1;
	s7 =	sand.u32 $0x1, s5;
	s5 =	simm.s32 $0x3  }
0xb: {  	s8 =	sor.u32 s7, s6;
	_ =	swait.ge [sflag:s5], $0x14  }
0xc: {  	s6 =	simm.s32 $0x0;
	p0 =	slt.s32 s8, $0x10;
	[sflag:s5] =	ssyncset.done $0x0  }
0xd: {  	s6 =	simm.s32 @!p0 $0x10;
	[sflag:s5] =	ssyncadd.s32 $0xFFFFFFEC  }
0xe: {  	v0 =	vld [tilespmem:s6+$0x0];
	_ =	sdelay $0x2  }
0xf: {  	s9 =	sand.u32 $0xF, s8  }
0x10: {  	v2 =	vlaneseq.u32;
	v1 =	vmov s9  }
0x11: {  	vm0 =	veq.s32 v1, v2;
	v0 =	vxor.u32 $0x80000000, v0  }
0x12: {  	v0 =	vnsel vm0, $0x80000000, v0  }
0x13: {  	(xrf0) =	vmax.scan.msk.u32 $0xffff, v0;
	_ =	sdelay $0x5  }
0x14: {  	v0, _, _ =	vpop (xrf0)  }
0x15: {  	(v2sf) =	vpush v0, $0xF;
	_ =	sdelay $0xc  }
0x16: {  	s10 =	simm.s32 $0x1  }
0x17: {  	s13 =	ssub.s32 $0x2, s7;
	s7 =	simm.s32 $0x400;
	s12 =	sshll.u32 s8, $0xA  }
0x18: {  	s8 =	simm.s32 $0xC3800;
	s31 =	sshrl.u32 s13, $0x1;
	s30 =	spop (v2sf)  }
0x19: {  	s11 =	sadd.s32 s12, s11;
	s12 =	ssub.s32 s13, s31;
	s14 =	sand.u32 $0x1FFFFF80, s30  }
0x1a: {  	s9 =	simm.s32 $0x80;
	s13 =	smax.u32 s12, $0x1;
	s14 =	sadd.s32 s3, s14  }
0x1b: {  	[tilespmem:s9], [sflag:$0x1] =	stream.strided.gather [hbm4b:s14+s7], $0x2000, s8, s7, $0x38;
	[tilespmem:$0x2080] =	vst v63  }
0x1c: {  	p0 =	sne.s32 s13, $0x1;
	_ =	swait.ge [sflag:s10], $0x2000  }
.Ltmp1:
0x1d: {  	[sflag:s10] =	ssyncset.done $0x0;
	(pc) =	sbr.rel @!p0 .LBB2_3-.Ltmp1, $4  }
0x1e: {  	s11 =	sadd.s32 $0xE00, s11;
	s12 =	simm.s32 $0x2;
	[sflag:s10] =	ssyncadd.s32 $0xFFFFE000  }
0x1f: {  	[hbm4b:s11+s4] =	stream.linear.scatter [tilespmem:s9], [sflag:$0x2], $0x2000, $0x38;
	[tilespmem:$0x2080] =	vst v63  }
0x20: {  	_ =	swait.ge [sflag:s12], $0x2000  }
0x21: {  	s13 =	sadd.s32 $0xFFFFFFFF, s13;
	[sflag:s12] =	ssyncset.done $0x0  }
.LBB2_2:
0x22: {  	p0 =	sne.s32 s13, $0x1;
	s13 =	sadd.s32 $0xFFFFFFFF, s13;
	[sflag:s12] =	ssyncadd.s32 $0xFFFFE000  }
0x23: {  	[tilespmem:s4], [sflag:$0x3] =	stream.linear.gather [hbm4b:s2+s4], $0x14, $0x38;
	[tilespmem:$0x2080] =	vst v63  }
0x24: {  	_ =	swait.ge [sflag:s5], $0x14  }
0x25: {  	[sflag:s5] =	ssyncset.done $0x0  }
0x26: {  	[sflag:s5] =	ssyncadd.s32 $0xFFFFFFEC  }
0x27: {  	v0 =	vld [tilespmem:s6+$0x0];
	_ =	sdelay $0x4  }
0x28: {  	v0 =	vxor.u32 $0x80000000, v0  }
0x29: {  	v0 =	vnsel vm0, $0x80000000, v0  }
0x2a: {  	(xrf0) =	vmax.scan.msk.u32 $0xffff, v0;
	_ =	sdelay $0x5  }
0x2b: {  	v0, _, _ =	vpop (xrf0)  }
0x2c: {  	(v2sf) =	vpush v0, $0xF;
	_ =	sdelay $0xe  }
0x2d: {  	s14 =	spop (v2sf)  }
0x2e: {  	s14 =	sand.u32 $0x1FFFFF80, s14  }
0x2f: {  	s14 =	sadd.s32 s3, s14  }
0x30: {  	[tilespmem:s9], [sflag:$0x1] =	stream.strided.gather [hbm4b:s14+s7], $0x2000, s8, s7, $0x38;
	[tilespmem:$0x2080] =	vst v63  }
0x31: {  	_ =	swait.ge [sflag:s10], $0x2000  }
.Ltmp2:
0x32: {  	[sflag:s10] =	ssyncset.done $0x0;
	(pc) =	sbr.rel @p0 .LBB2_2-.Ltmp2, $4  }
0x33: {  	[sflag:s10] =	ssyncadd.s32 $0xFFFFE000  }
0x34: {  	[hbm4b:s11+s4] =	stream.linear.scatter [tilespmem:s9], [sflag:$0x2], $0x2000, $0x38;
	[tilespmem:$0x2080] =	vst v63  }
0x35: {  	_ =	swait.ge [sflag:s12], $0x2000  }
0x36: {  	[sflag:s12] =	ssyncset.done $0x0  }
.LBB2_3:
0x37: {  	[sflag:s12] =	ssyncadd.s32 $0xFFFFE000  }
.LBB2_4:
0x38: {  	_ =	sfence.sel $0x180000  }
0x39: {  	[bflag:$0x0] =	sbarrier.arrive $0xFFFF  }
0x3a: {  	p0 =	sne.s32 s1, $0x0;
	_ =	strace $0x90000047  }
0x3b: {  	s0 =	sadd.s32 @!p0 $0x100000, s0;
	[bflag:$0x2] =	sbarrier.arrive $0xFFFF  }
0x3c: {  	[sflag:s0] =	ssyncadd.tile.s32 @!p0 $0x1;
	_ =	shalt  }
.Lfunc_end2:
_tile_overlayer_lowered:
.L_overlay_start_2:
0x3d: {  	(tag) =	ssettag $0x2  }
0x3e: {  	s0 =	rddreg [dreg:$0x0];
	s2 =	stileid.u32  }
0x3f: {  	s1 =	rddreg [dreg:$0x1];
	p0 =	sne.s32 s2, $0x0  }
0x40: {  	s3 =	rddreg [dreg:$0x2];
	[bflag:$0x3] =	sbarrier.arrive $0xFFFF;
	s2 =	simm.s32 @!p0 $0x1C03  }
0x41: {  	[timem:s3], [sflag:s2] =	dma.local @!p0 [hbm:s0], s1  }
0x42: {  	s0 =	simm.s32 @!p0 $0x3  }
0x43: {  	_ =	swait.ge @!p0 [sflag:s0], s1  }
0x44: {  	s1 =	ssub.s32 @!p0 $0x0, s1;
	[sflag:s0] =	ssyncset.done @!p0 $0x0  }
0x45: {  	[sflag:s0] =	ssyncadd.s32 @!p0 s1  }
0x46: {  	[bflag:$0x3] =	sbarrier.arrive $0xFFFF  }
0x47: {  	_ =	shalt  }

</sc_bundles>
